<compile_context>
chip_gen: v7x
topology: tpu7x:2x2x1
jax: 0.10.2.dev20260603
libtpu: 0.0.44.dev20260713+nightly
codegen_flags: <defaults>
</compile_context>

<pallas_src>
import functools

import jax
import jax.numpy as jnp
from jax import lax
from jax.experimental import pallas as pl
from jax.experimental.pallas import tpu as pltpu
from jax.experimental.pallas import tpu_sc as plsc

_VOCAB = 100000
_EMB = 1024
_HID = 2048
_OUT = 128
_BATCH = 4096

_NC = 2
_NS = 16
_NW = _NC * _NS
_BPW = _BATCH // _NW
_CHUNK = 32
_NCHUNK = _BPW // _CHUNK
_NBUF = 3


def _sc_gather(idx3, table):
    mesh = plsc.VectorSubcoreMesh(core_axis_name="c", subcore_axis_name="s")

    @functools.partial(
        pl.kernel,
        mesh=mesh,
        out_type=jax.ShapeDtypeStruct((_BATCH, _EMB), jnp.float32),
        scratch_types=(
            [pltpu.VMEM((_NCHUNK, _CHUNK), jnp.int32)]
            + [pltpu.VMEM((_CHUNK, _EMB), jnp.float32)] * _NBUF
            + [pltpu.SemaphoreType.DMA] * (2 * _NBUF)
        ),
    )
    def gather_kernel(idx_hbm, table_hbm, out_hbm, idx_v, *rest):
        bufs = rest[:_NBUF]
        gsems = rest[_NBUF:2 * _NBUF]
        osems = rest[2 * _NBUF:]
        wid = lax.axis_index("s") * _NC + lax.axis_index("c")
        base = wid * _BPW
        pltpu.sync_copy(idx_hbm.at[wid], idx_v)
        gcp = [None] * _NCHUNK
        ocp = [None] * _NCHUNK
        for k in range(_NCHUNK):
            if k >= _NBUF:
                ocp[k - _NBUF].wait()
            gcp[k] = pltpu.async_copy(table_hbm.at[idx_v.at[k]],
                                      bufs[k % _NBUF], gsems[k % _NBUF])
            if k >= 1:
                gcp[k - 1].wait()
                ocp[k - 1] = pltpu.async_copy(
                    bufs[(k - 1) % _NBUF],
                    out_hbm.at[pl.ds(base + (k - 1) * _CHUNK, _CHUNK)],
                    osems[(k - 1) % _NBUF])
        k = _NCHUNK - 1
        gcp[k].wait()
        ocp[k] = pltpu.async_copy(
            bufs[k % _NBUF],
            out_hbm.at[pl.ds(base + k * _CHUNK, _CHUNK)],
            osems[k % _NBUF])
        for k in range(max(0, _NCHUNK - _NBUF), _NCHUNK):
            ocp[k].wait()

    return gather_kernel(idx3, table)


_BM = 512


def _mlp_body(emb_ref, w1_ref, b1_ref, w2_ref, b2_ref, out_ref):
    h = jnp.dot(emb_ref[...], w1_ref[...], preferred_element_type=jnp.float32)
    h = jnp.maximum(h + b1_ref[...], 0.0)
    out_ref[...] = (
        jnp.dot(h, w2_ref[...], preferred_element_type=jnp.float32) + b2_ref[...]
    )


def _tc_mlp(emb, W1, b1, W2, b2):
    grid = (_BATCH // _BM,)
    return pl.pallas_call(
        _mlp_body,
        grid=grid,
        in_specs=[
            pl.BlockSpec((_BM, _EMB), lambda i: (i, 0)),
            pl.BlockSpec((_EMB, _HID), lambda i: (0, 0)),
            pl.BlockSpec((1, _HID), lambda i: (0, 0)),
            pl.BlockSpec((_HID, _OUT), lambda i: (0, 0)),
            pl.BlockSpec((1, _OUT), lambda i: (0, 0)),
        ],
        out_specs=pl.BlockSpec((_BM, _OUT), lambda i: (i, 0)),
        out_shape=jax.ShapeDtypeStruct((_BATCH, _OUT), jnp.float32),
        compiler_params=pltpu.CompilerParams(
            dimension_semantics=("parallel",),
        ),
    )(emb, W1, b1, W2, b2)


def kernel(user_one_hot_vector, table, W1, b1, W2, b2):
    idx3 = user_one_hot_vector.astype(jnp.int32).reshape(_NW, _NCHUNK, _CHUNK)
    emb = _sc_gather(idx3, table)
    return _tc_mlp(emb, W1, b1.reshape(1, _HID), W2, b2.reshape(1, _OUT))

# --- scband reference (transcript-rebuilt; emitter-appended) ---
"""Pipeline reference for scband-user-embedding-39006892982724 (READ-ONLY COPY).

The authoritative reference and input builder live on the scoring server;
editing this copy changes nothing except your own understanding.
"""

import jax, jax.numpy as jnp
import numpy as np

VOCAB = 100000
EMB = 1024
HID = 2048
OUT = 128
BATCH = 4096

def setup_inputs(seed: int = 0) -> dict:
    key = jax.random.key(seed)
    k_idx, k_tab, k_w1, k_b1, k_w2, k_b2 = jax.random.split(key, 6)
    user_one_hot_vector = jax.random.randint(k_idx, (BATCH,), 0, VOCAB, dtype=jnp.int64 if jax.config.jax_enable_x64 else jnp.int32)
    table = jax.random.normal(k_tab, (VOCAB, EMB), dtype=jnp.float32)
    W1 = jax.random.normal(k_w1, (EMB, HID), dtype=jnp.float32) * (1.0 / np.sqrt(EMB))
    b1 = jax.random.normal(k_b1, (HID,), dtype=jnp.float32) * 0.01
    W2 = jax.random.normal(k_w2, (HID, OUT), dtype=jnp.float32) * (1.0 / np.sqrt(HID))
    b2 = jax.random.normal(k_b2, (OUT,), dtype=jnp.float32) * 0.01
    return {"user_one_hot_vector": user_one_hot_vector, "table": table, "W1": W1, "b1": b1, "W2": W2, "b2": b2}

def reference(user_one_hot_vector, table, W1, b1, W2, b2):
    # Embedding lookup
    user_embedding = jnp.take(table, user_one_hot_vector, axis=0)  # [B, 1024]
    # first_layer: Linear(1024 -> 2048)
    h = user_embedding @ W1 + b1
    h = jax.nn.relu(h)
    # output_layer: Linear(2048 -> 128)
    out = h @ W2 + b2
    return out

if __name__ == "__main__":
    import jax
    _d = setup_inputs()
    print(jax.jit(kernel)(*tuple(_d.values())))

</pallas_src>

<mosaic_0001>
#map = affine_map<(d0, d1) -> (0, 0, 0)>
#map1 = affine_map<(d0, d1) -> (0, 0)>
module attributes {stable_mosaic.version = 14 : i64} {
  func.func @gather_kernel(%arg0: i32, %arg1: i32, %arg2: memref<32x4x32xi32, #tpu.memory_space<hbm>>, %arg3: memref<100000x1024xf32, #tpu.memory_space<hbm>>, %arg4: memref<4096x1024xf32, #tpu.memory_space<hbm>>, %arg5: memref<4x32xi32, #tpu.memory_space<vmem>>, %arg6: memref<32x1024xf32, #tpu.memory_space<vmem>>, %arg7: memref<32x1024xf32, #tpu.memory_space<vmem>>, %arg8: memref<32x1024xf32, #tpu.memory_space<vmem>>, %arg9: memref<!tpu.dma_semaphore, #tpu.memory_space<semaphore_mem>>, %arg10: memref<!tpu.dma_semaphore, #tpu.memory_space<semaphore_mem>>, %arg11: memref<!tpu.dma_semaphore, #tpu.memory_space<semaphore_mem>>, %arg12: memref<!tpu.dma_semaphore, #tpu.memory_space<semaphore_mem>>, %arg13: memref<!tpu.dma_semaphore, #tpu.memory_space<semaphore_mem>>, %arg14: memref<!tpu.dma_semaphore, #tpu.memory_space<semaphore_mem>>) attributes {dimension_semantics = [#tpu.dimension_semantics<core_parallel>, #tpu.dimension_semantics<subcore_parallel>], iteration_bounds = array<i64: 2, 16>, scalar_prefetch = 0 : i64, scratch_operands = 10 : i64, tpu.core_type = #tpu.core_type<sc_vector_subcore>, window_params = [{transform_indices = #map}, {transform_indices = #map1}, {transform_indices = #map1}]} {
    %mul3A = arith.constant 2 : i32
    %mul3A_0 = arith.muli %arg1, %mul3A : i32
    %add3A = arith.addi %mul3A_0, %arg0 : i32
    %mul3A_1 = arith.constant 128 : i32
    %mul3A_2 = arith.muli %add3A, %mul3A_1 : i32
    "tpu.region"() ({
      %run_scoped3A = tpu.sem_alloc : memref<!tpu.dma_semaphore, #tpu.memory_space<semaphore_mem>>
      %dma_start3A_97 = arith.constant 0 : i32
      %dma_start3A_98 = arith.constant 0 : i32
      %dma_start3A_99 = tpu.memref_slice %arg2[%add3A, %dma_start3A_97, %dma_start3A_98] : memref<32x4x32xi32, #tpu.memory_space<hbm>> -> memref<1x4x32xi32, #tpu.memory_space<hbm>>
      %dma_start3A_100 = tpu.memref_squeeze %dma_start3A_99 : memref<1x4x32xi32, #tpu.memory_space<hbm>> -> memref<4x32xi32, #tpu.memory_space<hbm>>
      %dma_start3A_101 = arith.constant 0 : i32
      %dma_start3A_102 = arith.constant 0 : i32
      %dma_start3A_103 = tpu.memref_slice %arg2[%add3A, %dma_start3A_101, %dma_start3A_102] : memref<32x4x32xi32, #tpu.memory_space<hbm>> -> memref<1x4x32xi32, #tpu.memory_space<hbm>>
      %dma_start3A_104 = tpu.memref_squeeze %dma_start3A_103 : memref<1x4x32xi32, #tpu.memory_space<hbm>> -> memref<4x32xi32, #tpu.memory_space<hbm>>
      tpu.enqueue_dma source(%dma_start3A_104 : memref<4x32xi32, #tpu.memory_space<hbm>>) target(%arg5 : memref<4x32xi32, #tpu.memory_space<vmem>>) target_semaphore(%run_scoped3A : memref<!tpu.dma_semaphore, #tpu.memory_space<semaphore_mem>>)
      %dma_wait3A_105 = arith.constant 0 : i32
      %dma_wait3A_106 = arith.constant 0 : i32
      %dma_wait3A_107 = tpu.memref_slice %arg2[%add3A, %dma_wait3A_105, %dma_wait3A_106] : memref<32x4x32xi32, #tpu.memory_space<hbm>> -> memref<1x4x32xi32, #tpu.memory_space<hbm>>
      %dma_wait3A_108 = tpu.memref_squeeze %dma_wait3A_107 : memref<1x4x32xi32, #tpu.memory_space<hbm>> -> memref<4x32xi32, #tpu.memory_space<hbm>>
      %dma_wait3A_109 = arith.constant 0 : i32
      %dma_wait3A_110 = arith.constant 0 : i32
      %dma_wait3A_111 = tpu.memref_slice %arg2[%add3A, %dma_wait3A_109, %dma_wait3A_110] : memref<32x4x32xi32, #tpu.memory_space<hbm>> -> memref<1x4x32xi32, #tpu.memory_space<hbm>>
      %dma_wait3A_112 = tpu.memref_squeeze %dma_wait3A_111 : memref<1x4x32xi32, #tpu.memory_space<hbm>> -> memref<4x32xi32, #tpu.memory_space<hbm>>
      tpu.wait_dma2 semaphore(%run_scoped3A : memref<!tpu.dma_semaphore, #tpu.memory_space<semaphore_mem>>) src(%dma_wait3A_112 : memref<4x32xi32, #tpu.memory_space<hbm>>) dst(%arg5 : memref<4x32xi32, #tpu.memory_space<vmem>>)
      tpu.yield
    }) : () -> ()
    %dma_start3A = arith.constant 0 : i32
    %dma_start3A_3 = arith.constant 0 : i32
    %dma_start3A_4 = tpu.memref_slice %arg5[%dma_start3A, %dma_start3A_3] : memref<4x32xi32, #tpu.memory_space<vmem>> -> memref<1x32xi32, #tpu.memory_space<vmem>>
    %dma_start3A_5 = tpu.memref_squeeze %dma_start3A_4 : memref<1x32xi32, #tpu.memory_space<vmem>> -> memref<32xi32, #tpu.memory_space<vmem>>
    %dma_start3A_6 = arith.constant 0 : i32
    %dma_start3A_7 = arith.constant 0 : i32
    %dma_start3A_8 = tpu.memref_slice %arg3[%dma_start3A_6, %dma_start3A_7] : memref<100000x1024xf32, #tpu.memory_space<hbm>> -> memref<100000x1024xf32, #tpu.memory_space<hbm>>
    tpu.enqueue_indirect_dma source(%dma_start3A_8 : memref<100000x1024xf32, #tpu.memory_space<hbm>>) target(%arg6 : memref<32x1024xf32, #tpu.memory_space<vmem>>) offsets(%dma_start3A_5 : memref<32xi32, #tpu.memory_space<vmem>>) semaphore(%arg9 : memref<!tpu.dma_semaphore, #tpu.memory_space<semaphore_mem>>)
    %dma_start3A_9 = arith.constant 1 : i32
    %dma_start3A_10 = arith.constant 0 : i32
    %dma_start3A_11 = tpu.memref_slice %arg5[%dma_start3A_9, %dma_start3A_10] : memref<4x32xi32, #tpu.memory_space<vmem>> -> memref<1x32xi32, #tpu.memory_space<vmem>>
    %dma_start3A_12 = tpu.memref_squeeze %dma_start3A_11 : memref<1x32xi32, #tpu.memory_space<vmem>> -> memref<32xi32, #tpu.memory_space<vmem>>
    %dma_start3A_13 = arith.constant 0 : i32
    %dma_start3A_14 = arith.constant 0 : i32
    %dma_start3A_15 = tpu.memref_slice %arg3[%dma_start3A_13, %dma_start3A_14] : memref<100000x1024xf32, #tpu.memory_space<hbm>> -> memref<100000x1024xf32, #tpu.memory_space<hbm>>
    tpu.enqueue_indirect_dma source(%dma_start3A_15 : memref<100000x1024xf32, #tpu.memory_space<hbm>>) target(%arg7 : memref<32x1024xf32, #tpu.memory_space<vmem>>) offsets(%dma_start3A_12 : memref<32xi32, #tpu.memory_space<vmem>>) semaphore(%arg10 : memref<!tpu.dma_semaphore, #tpu.memory_space<semaphore_mem>>)
    %dma_wait3A = arith.constant 0 : i32
    %dma_wait3A_16 = arith.constant 0 : i32
    %dma_wait3A_17 = tpu.memref_slice %arg5[%dma_wait3A, %dma_wait3A_16] : memref<4x32xi32, #tpu.memory_space<vmem>> -> memref<1x32xi32, #tpu.memory_space<vmem>>
    %dma_wait3A_18 = tpu.memref_squeeze %dma_wait3A_17 : memref<1x32xi32, #tpu.memory_space<vmem>> -> memref<32xi32, #tpu.memory_space<vmem>>
    %dma_wait3A_19 = arith.constant 0 : i32
    %dma_wait3A_20 = arith.constant 0 : i32
    %dma_wait3A_21 = tpu.memref_slice %arg3[%dma_wait3A_19, %dma_wait3A_20] : memref<100000x1024xf32, #tpu.memory_space<hbm>> -> memref<100000x1024xf32, #tpu.memory_space<hbm>>
    tpu.wait_indirect_dma semaphore(%arg9 : memref<!tpu.dma_semaphore, #tpu.memory_space<semaphore_mem>>) src(%dma_wait3A_21 : memref<100000x1024xf32, #tpu.memory_space<hbm>>) dst(%arg6 : memref<32x1024xf32, #tpu.memory_space<vmem>>)
    %add3A_22 = arith.constant 0 : i32
    %add3A_23 = arith.addi %mul3A_2, %add3A_22 : i32
    %dma_start3A_24 = arith.constant 0 : i32
    %dma_start3A_25 = tpu.memref_slice %arg4[%add3A_23, %dma_start3A_24] : memref<4096x1024xf32, #tpu.memory_space<hbm>> -> memref<32x1024xf32, #tpu.memory_space<hbm>>
    %dma_start3A_26 = arith.constant 0 : i32
    %dma_start3A_27 = tpu.memref_slice %arg4[%add3A_23, %dma_start3A_26] : memref<4096x1024xf32, #tpu.memory_space<hbm>> -> memref<32x1024xf32, #tpu.memory_space<hbm>>
    tpu.enqueue_dma source(%arg6 : memref<32x1024xf32, #tpu.memory_space<vmem>>) target(%dma_start3A_27 : memref<32x1024xf32, #tpu.memory_space<hbm>>) target_semaphore(%arg12 : memref<!tpu.dma_semaphore, #tpu.memory_space<semaphore_mem>>)
    %dma_start3A_28 = arith.constant 2 : i32
    %dma_start3A_29 = arith.constant 0 : i32
    %dma_start3A_30 = tpu.memref_slice %arg5[%dma_start3A_28, %dma_start3A_29] : memref<4x32xi32, #tpu.memory_space<vmem>> -> memref<1x32xi32, #tpu.memory_space<vmem>>
    %dma_start3A_31 = tpu.memref_squeeze %dma_start3A_30 : memref<1x32xi32, #tpu.memory_space<vmem>> -> memref<32xi32, #tpu.memory_space<vmem>>
    %dma_start3A_32 = arith.constant 0 : i32
    %dma_start3A_33 = arith.constant 0 : i32
    %dma_start3A_34 = tpu.memref_slice %arg3[%dma_start3A_32, %dma_start3A_33] : memref<100000x1024xf32, #tpu.memory_space<hbm>> -> memref<100000x1024xf32, #tpu.memory_space<hbm>>
    tpu.enqueue_indirect_dma source(%dma_start3A_34 : memref<100000x1024xf32, #tpu.memory_space<hbm>>) target(%arg8 : memref<32x1024xf32, #tpu.memory_space<vmem>>) offsets(%dma_start3A_31 : memref<32xi32, #tpu.memory_space<vmem>>) semaphore(%arg11 : memref<!tpu.dma_semaphore, #tpu.memory_space<semaphore_mem>>)
    %dma_wait3A_35 = arith.constant 1 : i32
    %dma_wait3A_36 = arith.constant 0 : i32
    %dma_wait3A_37 = tpu.memref_slice %arg5[%dma_wait3A_35, %dma_wait3A_36] : memref<4x32xi32, #tpu.memory_space<vmem>> -> memref<1x32xi32, #tpu.memory_space<vmem>>
    %dma_wait3A_38 = tpu.memref_squeeze %dma_wait3A_37 : memref<1x32xi32, #tpu.memory_space<vmem>> -> memref<32xi32, #tpu.memory_space<vmem>>
    %dma_wait3A_39 = arith.constant 0 : i32
    %dma_wait3A_40 = arith.constant 0 : i32
    %dma_wait3A_41 = tpu.memref_slice %arg3[%dma_wait3A_39, %dma_wait3A_40] : memref<100000x1024xf32, #tpu.memory_space<hbm>> -> memref<100000x1024xf32, #tpu.memory_space<hbm>>
    tpu.wait_indirect_dma semaphore(%arg10 : memref<!tpu.dma_semaphore, #tpu.memory_space<semaphore_mem>>) src(%dma_wait3A_41 : memref<100000x1024xf32, #tpu.memory_space<hbm>>) dst(%arg7 : memref<32x1024xf32, #tpu.memory_space<vmem>>)
    %add3A_42 = arith.constant 32 : i32
    %add3A_43 = arith.addi %mul3A_2, %add3A_42 : i32
    %dma_start3A_44 = arith.constant 0 : i32
    %dma_start3A_45 = tpu.memref_slice %arg4[%add3A_43, %dma_start3A_44] : memref<4096x1024xf32, #tpu.memory_space<hbm>> -> memref<32x1024xf32, #tpu.memory_space<hbm>>
    %dma_start3A_46 = arith.constant 0 : i32
    %dma_start3A_47 = tpu.memref_slice %arg4[%add3A_43, %dma_start3A_46] : memref<4096x1024xf32, #tpu.memory_space<hbm>> -> memref<32x1024xf32, #tpu.memory_space<hbm>>
    tpu.enqueue_dma source(%arg7 : memref<32x1024xf32, #tpu.memory_space<vmem>>) target(%dma_start3A_47 : memref<32x1024xf32, #tpu.memory_space<hbm>>) target_semaphore(%arg13 : memref<!tpu.dma_semaphore, #tpu.memory_space<semaphore_mem>>)
    %dma_wait3A_48 = arith.constant 0 : i32
    %dma_wait3A_49 = tpu.memref_slice %arg4[%add3A_23, %dma_wait3A_48] : memref<4096x1024xf32, #tpu.memory_space<hbm>> -> memref<32x1024xf32, #tpu.memory_space<hbm>>
    %dma_wait3A_50 = arith.constant 0 : i32
    %dma_wait3A_51 = tpu.memref_slice %arg4[%add3A_23, %dma_wait3A_50] : memref<4096x1024xf32, #tpu.memory_space<hbm>> -> memref<32x1024xf32, #tpu.memory_space<hbm>>
    tpu.wait_dma2 semaphore(%arg12 : memref<!tpu.dma_semaphore, #tpu.memory_space<semaphore_mem>>) src(%arg6 : memref<32x1024xf32, #tpu.memory_space<vmem>>) dst(%dma_wait3A_51 : memref<32x1024xf32, #tpu.memory_space<hbm>>)
    %dma_start3A_52 = arith.constant 3 : i32
    %dma_start3A_53 = arith.constant 0 : i32
    %dma_start3A_54 = tpu.memref_slice %arg5[%dma_start3A_52, %dma_start3A_53] : memref<4x32xi32, #tpu.memory_space<vmem>> -> memref<1x32xi32, #tpu.memory_space<vmem>>
    %dma_start3A_55 = tpu.memref_squeeze %dma_start3A_54 : memref<1x32xi32, #tpu.memory_space<vmem>> -> memref<32xi32, #tpu.memory_space<vmem>>
    %dma_start3A_56 = arith.constant 0 : i32
    %dma_start3A_57 = arith.constant 0 : i32
    %dma_start3A_58 = tpu.memref_slice %arg3[%dma_start3A_56, %dma_start3A_57] : memref<100000x1024xf32, #tpu.memory_space<hbm>> -> memref<100000x1024xf32, #tpu.memory_space<hbm>>
    tpu.enqueue_indirect_dma source(%dma_start3A_58 : memref<100000x1024xf32, #tpu.memory_space<hbm>>) target(%arg6 : memref<32x1024xf32, #tpu.memory_space<vmem>>) offsets(%dma_start3A_55 : memref<32xi32, #tpu.memory_space<vmem>>) semaphore(%arg9 : memref<!tpu.dma_semaphore, #tpu.memory_space<semaphore_mem>>)
    %dma_wait3A_59 = arith.constant 2 : i32
    %dma_wait3A_60 = arith.constant 0 : i32
    %dma_wait3A_61 = tpu.memref_slice %arg5[%dma_wait3A_59, %dma_wait3A_60] : memref<4x32xi32, #tpu.memory_space<vmem>> -> memref<1x32xi32, #tpu.memory_space<vmem>>
    %dma_wait3A_62 = tpu.memref_squeeze %dma_wait3A_61 : memref<1x32xi32, #tpu.memory_space<vmem>> -> memref<32xi32, #tpu.memory_space<vmem>>
    %dma_wait3A_63 = arith.constant 0 : i32
    %dma_wait3A_64 = arith.constant 0 : i32
    %dma_wait3A_65 = tpu.memref_slice %arg3[%dma_wait3A_63, %dma_wait3A_64] : memref<100000x1024xf32, #tpu.memory_space<hbm>> -> memref<100000x1024xf32, #tpu.memory_space<hbm>>
    tpu.wait_indirect_dma semaphore(%arg11 : memref<!tpu.dma_semaphore, #tpu.memory_space<semaphore_mem>>) src(%dma_wait3A_65 : memref<100000x1024xf32, #tpu.memory_space<hbm>>) dst(%arg8 : memref<32x1024xf32, #tpu.memory_space<vmem>>)
    %add3A_66 = arith.constant 64 : i32
    %add3A_67 = arith.addi %mul3A_2, %add3A_66 : i32
    %dma_start3A_68 = arith.constant 0 : i32
    %dma_start3A_69 = tpu.memref_slice %arg4[%add3A_67, %dma_start3A_68] : memref<4096x1024xf32, #tpu.memory_space<hbm>> -> memref<32x1024xf32, #tpu.memory_space<hbm>>
    %dma_start3A_70 = arith.constant 0 : i32
    %dma_start3A_71 = tpu.memref_slice %arg4[%add3A_67, %dma_start3A_70] : memref<4096x1024xf32, #tpu.memory_space<hbm>> -> memref<32x1024xf32, #tpu.memory_space<hbm>>
    tpu.enqueue_dma source(%arg8 : memref<32x1024xf32, #tpu.memory_space<vmem>>) target(%dma_start3A_71 : memref<32x1024xf32, #tpu.memory_space<hbm>>) target_semaphore(%arg14 : memref<!tpu.dma_semaphore, #tpu.memory_space<semaphore_mem>>)
    %dma_wait3A_72 = arith.constant 3 : i32
    %dma_wait3A_73 = arith.constant 0 : i32
    %dma_wait3A_74 = tpu.memref_slice %arg5[%dma_wait3A_72, %dma_wait3A_73] : memref<4x32xi32, #tpu.memory_space<vmem>> -> memref<1x32xi32, #tpu.memory_space<vmem>>
    %dma_wait3A_75 = tpu.memref_squeeze %dma_wait3A_74 : memref<1x32xi32, #tpu.memory_space<vmem>> -> memref<32xi32, #tpu.memory_space<vmem>>
    %dma_wait3A_76 = arith.constant 0 : i32
    %dma_wait3A_77 = arith.constant 0 : i32
    %dma_wait3A_78 = tpu.memref_slice %arg3[%dma_wait3A_76, %dma_wait3A_77] : memref<100000x1024xf32, #tpu.memory_space<hbm>> -> memref<100000x1024xf32, #tpu.memory_space<hbm>>
    tpu.wait_indirect_dma semaphore(%arg9 : memref<!tpu.dma_semaphore, #tpu.memory_space<semaphore_mem>>) src(%dma_wait3A_78 : memref<100000x1024xf32, #tpu.memory_space<hbm>>) dst(%arg6 : memref<32x1024xf32, #tpu.memory_space<vmem>>)
    %add3A_79 = arith.constant 96 : i32
    %add3A_80 = arith.addi %mul3A_2, %add3A_79 : i32
    %dma_start3A_81 = arith.constant 0 : i32
    %dma_start3A_82 = tpu.memref_slice %arg4[%add3A_80, %dma_start3A_81] : memref<4096x1024xf32, #tpu.memory_space<hbm>> -> memref<32x1024xf32, #tpu.memory_space<hbm>>
    %dma_start3A_83 = arith.constant 0 : i32
    %dma_start3A_84 = tpu.memref_slice %arg4[%add3A_80, %dma_start3A_83] : memref<4096x1024xf32, #tpu.memory_space<hbm>> -> memref<32x1024xf32, #tpu.memory_space<hbm>>
    tpu.enqueue_dma source(%arg6 : memref<32x1024xf32, #tpu.memory_space<vmem>>) target(%dma_start3A_84 : memref<32x1024xf32, #tpu.memory_space<hbm>>) target_semaphore(%arg12 : memref<!tpu.dma_semaphore, #tpu.memory_space<semaphore_mem>>)
    %dma_wait3A_85 = arith.constant 0 : i32
    %dma_wait3A_86 = tpu.memref_slice %arg4[%add3A_43, %dma_wait3A_85] : memref<4096x1024xf32, #tpu.memory_space<hbm>> -> memref<32x1024xf32, #tpu.memory_space<hbm>>
    %dma_wait3A_87 = arith.constant 0 : i32
    %dma_wait3A_88 = tpu.memref_slice %arg4[%add3A_43, %dma_wait3A_87] : memref<4096x1024xf32, #tpu.memory_space<hbm>> -> memref<32x1024xf32, #tpu.memory_space<hbm>>
    tpu.wait_dma2 semaphore(%arg13 : memref<!tpu.dma_semaphore, #tpu.memory_space<semaphore_mem>>) src(%arg7 : memref<32x1024xf32, #tpu.memory_space<vmem>>) dst(%dma_wait3A_88 : memref<32x1024xf32, #tpu.memory_space<hbm>>)
    %dma_wait3A_89 = arith.constant 0 : i32
    %dma_wait3A_90 = tpu.memref_slice %arg4[%add3A_67, %dma_wait3A_89] : memref<4096x1024xf32, #tpu.memory_space<hbm>> -> memref<32x1024xf32, #tpu.memory_space<hbm>>
    %dma_wait3A_91 = arith.constant 0 : i32
    %dma_wait3A_92 = tpu.memref_slice %arg4[%add3A_67, %dma_wait3A_91] : memref<4096x1024xf32, #tpu.memory_space<hbm>> -> memref<32x1024xf32, #tpu.memory_space<hbm>>
    tpu.wait_dma2 semaphore(%arg14 : memref<!tpu.dma_semaphore, #tpu.memory_space<semaphore_mem>>) src(%arg8 : memref<32x1024xf32, #tpu.memory_space<vmem>>) dst(%dma_wait3A_92 : memref<32x1024xf32, #tpu.memory_space<hbm>>)
    %dma_wait3A_93 = arith.constant 0 : i32
    %dma_wait3A_94 = tpu.memref_slice %arg4[%add3A_80, %dma_wait3A_93] : memref<4096x1024xf32, #tpu.memory_space<hbm>> -> memref<32x1024xf32, #tpu.memory_space<hbm>>
    %dma_wait3A_95 = arith.constant 0 : i32
    %dma_wait3A_96 = tpu.memref_slice %arg4[%add3A_80, %dma_wait3A_95] : memref<4096x1024xf32, #tpu.memory_space<hbm>> -> memref<32x1024xf32, #tpu.memory_space<hbm>>
    tpu.wait_dma2 semaphore(%arg12 : memref<!tpu.dma_semaphore, #tpu.memory_space<semaphore_mem>>) src(%arg6 : memref<32x1024xf32, #tpu.memory_space<vmem>>) dst(%dma_wait3A_96 : memref<32x1024xf32, #tpu.memory_space<hbm>>)
    return
  }
}

module attributes {stable_mosaic.version = 14 : i64} {
  func.func @_mlp_body(%arg0: i32, %arg1: memref<512x1024xf32, #tpu.memory_space<vmem>>, %arg2: memref<1024x2048xf32, #tpu.memory_space<vmem>>, %arg3: memref<1x2048xf32, #tpu.memory_space<vmem>>, %arg4: memref<2048x128xf32, #tpu.memory_space<vmem>>, %arg5: memref<1x128xf32, #tpu.memory_space<vmem>>, %arg6: memref<512x128xf32, #tpu.memory_space<vmem>>) attributes {dimension_semantics = [#tpu.dimension_semantics<parallel>], iteration_bounds = array<i64: 8>, scalar_prefetch = 0 : i64, scratch_operands = 0 : i64, tpu.core_type = #tpu.core_type<tc>, window_params = [{transform_indices = @transform_0, window_bounds = array<i64: 512, 1024>}, {pipeline_mode = #tpu.pipeline_mode<synchronous>, transform_indices = @transform_1, window_bounds = array<i64: 1024, 2048>}, {pipeline_mode = #tpu.pipeline_mode<synchronous>, transform_indices = @transform_2, window_bounds = array<i64: 1, 2048>}, {pipeline_mode = #tpu.pipeline_mode<synchronous>, transform_indices = @transform_3, window_bounds = array<i64: 2048, 128>}, {pipeline_mode = #tpu.pipeline_mode<synchronous>, transform_indices = @transform_4, window_bounds = array<i64: 1, 128>}, {transform_indices = @transform_5, window_bounds = array<i64: 512, 128>}]} {
    %get3A = arith.constant 0 : index
    %get3A_0 = arith.constant 0 : index
    %get3A_1 = vector.load %arg1[%get3A, %get3A_0] : memref<512x1024xf32, #tpu.memory_space<vmem>>, vector<512x1024xf32>
    %get3A_2 = arith.constant 0 : index
    %get3A_3 = arith.constant 0 : index
    %get3A_4 = vector.load %arg2[%get3A_2, %get3A_3] : memref<1024x2048xf32, #tpu.memory_space<vmem>>, vector<1024x2048xf32>
    %dot_general3A = arith.constant dense<0.000000e+00> : vector<512x2048xf32>
    %dot_general3A_5 = tpu.matmul %get3A_1, %get3A_4, %dot_general3A {dimension_numbers = #tpu.dot_dimension_numbers<[1], [0], [0], [1], [0, 0, 1, 1], [], []>, transpose_lhs_hint = false} : vector<512x1024xf32>, vector<1024x2048xf32>, vector<512x2048xf32> -> vector<512x2048xf32>
    %get3A_6 = arith.constant 0 : index
    %get3A_7 = arith.constant 0 : index
    %get3A_8 = vector.load %arg3[%get3A_6, %get3A_7] : memref<1x2048xf32, #tpu.memory_space<vmem>>, vector<1x2048xf32>
    %add3A = vector.broadcast %get3A_8 : vector<1x2048xf32> to vector<512x2048xf32>
    %add3A_9 = arith.addf %dot_general3A_5, %add3A : vector<512x2048xf32>
    %max3A = arith.constant 0.000000e+00 : f32
    %max3A_10 = vector.broadcast %max3A : f32 to vector<512x2048xf32>
    %max3A_11 = arith.maximumf %add3A_9, %max3A_10 : vector<512x2048xf32>
    %get3A_12 = arith.constant 0 : index
    %get3A_13 = arith.constant 0 : index
    %get3A_14 = vector.load %arg4[%get3A_12, %get3A_13] : memref<2048x128xf32, #tpu.memory_space<vmem>>, vector<2048x128xf32>
    %dot_general3A_15 = arith.constant dense<0.000000e+00> : vector<512x128xf32>
    %dot_general3A_16 = tpu.matmul %max3A_11, %get3A_14, %dot_general3A_15 {dimension_numbers = #tpu.dot_dimension_numbers<[1], [0], [0], [1], [0, 0, 1, 1], [], []>, transpose_lhs_hint = false} : vector<512x2048xf32>, vector<2048x128xf32>, vector<512x128xf32> -> vector<512x128xf32>
    %get3A_17 = arith.constant 0 : index
    %get3A_18 = arith.constant 0 : index
    %get3A_19 = vector.load %arg5[%get3A_17, %get3A_18] : memref<1x128xf32, #tpu.memory_space<vmem>>, vector<1x128xf32>
    %add3A_20 = vector.broadcast %get3A_19 : vector<1x128xf32> to vector<512x128xf32>
    %add3A_21 = arith.addf %dot_general3A_16, %add3A_20 : vector<512x128xf32>
    %swap3A = arith.constant 0 : index
    %swap3A_22 = arith.constant 0 : index
    %swap3A_23 = vector.load %arg6[%swap3A, %swap3A_22] : memref<512x128xf32, #tpu.memory_space<vmem>>, vector<512x128xf32>
    tpu.vector_store %arg6[%swap3A, %swap3A_22], %add3A_21 {strides = array<i32>} : memref<512x128xf32, #tpu.memory_space<vmem>>, vector<512x128xf32>,
    return
  }
  func.func @transform_0(%arg0: i32) -> (i32, i32) {
    %c0_i32 = arith.constant 0 : i32
    %c0_i32_0 = arith.constant 0 : i32
    return %arg0, %c0_i32 : i32, i32
  }
  func.func @transform_1(%arg0: i32) -> (i32, i32) {
    %c0_i32 = arith.constant 0 : i32
    %c0_i32_0 = arith.constant 0 : i32
    %c0_i32_1 = arith.constant 0 : i32
    return %c0_i32, %c0_i32_0 : i32, i32
  }
  func.func @transform_2(%arg0: i32) -> (i32, i32) {
    %c0_i32 = arith.constant 0 : i32
    %c0_i32_0 = arith.constant 0 : i32
    %c0_i32_1 = arith.constant 0 : i32
    return %c0_i32, %c0_i32_0 : i32, i32
  }
  func.func @transform_3(%arg0: i32) -> (i32, i32) {
    %c0_i32 = arith.constant 0 : i32
    %c0_i32_0 = arith.constant 0 : i32
    %c0_i32_1 = arith.constant 0 : i32
    return %c0_i32, %c0_i32_0 : i32, i32
  }
  func.func @transform_4(%arg0: i32) -> (i32, i32) {
    %c0_i32 = arith.constant 0 : i32
    %c0_i32_0 = arith.constant 0 : i32
    %c0_i32_1 = arith.constant 0 : i32
    return %c0_i32, %c0_i32_0 : i32, i32
  }
  func.func @transform_5(%arg0: i32) -> (i32, i32) {
    %c0_i32 = arith.constant 0 : i32
    %c0_i32_0 = arith.constant 0 : i32
    return %arg0, %c0_i32 : i32, i32
  }
}

</mosaic_0001>

<sc_bundles>
// kernel: kernel.4.cloned.1.call-start
scs
__scs_entry_jumppad:
0x0: {  	(pc) =	sbr.rel $0x88, $3  }
0x1: {  	(tag) =	ssettag $0x0;
	lr =	simm.s32 $0x1  }
0x2: {  	[smem:$0x3F9B] =	sst lr;
	_ =	strace $0xD0000000  }
0x3: {  	_ = 	snop  }
0x4: {  	_ = 	snop  }
0x5: {  	_ = 	snop  }
0x6: {  	_ = 	snop  }
0x7: {  	_ = 	snop  }
__scs_overlays_trampoline_lowered:
0x8: {  	[smem:$0x3FAA] =	sst s0  }
0x9: {  	[smem:$0x3FAB] =	sst s1  }
0xa: {  	[smem:$0x3FAC] =	sst s2  }
0xb: {  	[smem:$0x3FAD] =	sst s3  }
0xc: {  	[smem:$0x3FAE] =	sst s4  }
0xd: {  	[smem:$0x3FAF] =	sst s5  }
0xe: {  	[smem:$0x3FB0] =	sst s6  }
0xf: {  	[smem:$0x3FB1] =	sst s7  }
0x10: {  	[smem:$0x3FB2] =	sst s8  }
0x11: {  	[smem:$0x3FB3] =	sst s9;
	s0 =	simm.s32 @!p0 $0x0  }
0x12: {  	s1 =	sld [smem:$0x3F99];
	s0 =	simm.s32 @p0 $0x1  }
0x13: {  	[smem:$0x3FB4] =	sst s0;
	s0 =	simm.s32 @!p1 $0x0  }
0x14: {  	s2 =	sld [smem:$0x3F98];
	s0 =	simm.s32 @p1 $0x1  }
0x15: {  	[smem:$0x3FB5] =	sst s0;
	s0 =	simm.s32 @!p2 $0x0  }
0x16: {  	s3 =	sld [smem:$0x3FDB];
	s0 =	simm.s32 @p2 $0x1  }
0x17: {  	s4 =	simm.s32 $0x1BF5;
	[smem:$0x3FB7] =	sst s0  }
0x18: {  	s0 =	sld [smem:$0x3F9A];
	_ =	swait.ge [sflag:s4], $0x0  }
0x19: {  	s7 =	sld [smem:$0x3F9B]  }
0x1a: {  	s8 =	sadd.s32 $0xFFFFE003, lr  }
0x1b: {  	s9 =	sadd.s32 $0xFFFFFEF7, lr;
	s5 =	simm.s32 $0xFFFFFFFF;
	p2 =	slt.u32 s8, $0xFFFFF086  }
0x1c: {  	p1 =	slt.u32 s9, $0xF7A;
	s5 =	simm.s32 @!p2 $0x0  }
0x1d: {  	s5 =	simm.s32 @p1 $0x1;
	p0 =	seq.s32 s7, s2  }
0x1e: {  	s7 =	smul.u32 @!p0 $0xF7A, s2;
	p2 =	seq.s32 @!p0 s5, $0x0  }
0x1f: {  	s9 =	smul.u32 $0xF7A, s1;
	s8 =	simm.s32 @!p0 $0x1BF5;
	p2 =	por !p2, p0  }
0x20: {  	[sflag:s8] =	ssyncset.s32 @!p0 $0xFFFFF086;
	s6 =	sadd.s32 @!p0 s3, s7;
	s7 =	simm.s32 @!p0 $0x108  }
0x21: {  	s3 =	sadd.s32 s3, s9;
	s6 =	sadd.s32 @!p0 $0x88, s6;
	s7 =	simm.s32 @p2 $0x1082  }
0x22: {  	[simem:s7], [sflag:s8] =	dma.local @!p0 [hbm:s6], $0xF7A  }
0x23: {  	s9 =	sor.u32 $0xD0000000, s2;
	s6 =	simm.s32 $0x108;
	_ =	swait.ge @!p0 [sflag:s8], $0x0  }
0x24: {  	s3 =	sadd.s32 $0x88, s3;
	s6 =	simm.s32 @!p1 $0x1082;
	[sflag:s4] =	ssyncset.s32 $0xFFFFF086  }
0x25: {  	[simem:s6], [sflag:s4] =	dma.local [hbm:s3], $0xF7A  }
0x26: {  	[smem:$0x3F9B] =	sst s1;
	(tag) =	ssettag s2;
	_ =	strace s9  }
0x27: {  	s1 =	sld [smem:$0x3FAB]  }
0x28: {  	s2 =	sld [smem:$0x3FAC]  }
0x29: {  	s4 =	sld [smem:$0x3FAE]  }
0x2a: {  	p0 =	seq.s32 s5, $0x0;
	s5 =	sld [smem:$0x3FAF]  }
0x2b: {  	s6 =	sld [smem:$0x3FB0]  }
0x2c: {  	s7 =	sld [smem:$0x3FB1]  }
0x2d: {  	s3 =	simm.s32 $0x108;
	s8 =	sld [smem:$0x3FB2]  }
0x2e: {  	s3 =	simm.s32 @!p0 $0x1082;
	s9 =	sld [smem:$0x3FB3]  }
0x2f: {  	lr =	sadd.s32 s0, s3;
	s0 =	sld [smem:$0x3FAA]  }
0x30: {  	s3 =	sld [smem:$0x3FAD]  }
0x31: {  	[smem:$0x3FB6] =	sst s10  }
0x32: {  	s10 =	sld [smem:$0x3FB4];
	_ =	sdelay $0x3  }
0x33: {  	p0 =	seq.s32 s10, $0x1;
	s10 =	sld [smem:$0x3FB6];
	_ =	sdelay $0x3  }
0x34: {  	[smem:$0x3FB6] =	sst s10  }
0x35: {  	s10 =	sld [smem:$0x3FB5];
	_ =	sdelay $0x3  }
0x36: {  	p1 =	seq.s32 s10, $0x1;
	s10 =	sld [smem:$0x3FB6];
	_ =	sdelay $0x3  }
0x37: {  	[smem:$0x3FB6] =	sst s10  }
0x38: {  	s10 =	sld [smem:$0x3FB7]  }
0x39: {  	_ = 	snop;
	(pc) =	sbr.ind lr, $3  }
0x3a: {  	_ = 	snop  }
0x3b: {  	_ = 	snop  }
0x3c: {  	p2 =	seq.s32 s10, $0x1;
	s10 =	sld [smem:$0x3FB6]  }
0x3d: {  	_ =	shalt  }
0x3e: {  	_ =	shalt  }
0x3f: {  	_ =	shalt  }
0x40: {  	_ =	shalt  }
0x41: {  	_ =	shalt  }
0x42: {  	_ =	shalt  }
0x43: {  	_ =	shalt  }
0x44: {  	_ =	shalt  }
0x45: {  	_ =	shalt  }
0x46: {  	_ =	shalt  }
0x47: {  	_ =	shalt  }
0x48: {  	_ =	shalt  }
0x49: {  	_ =	shalt  }
0x4a: {  	_ =	shalt  }
0x4b: {  	_ =	shalt  }
0x4c: {  	_ =	shalt  }
0x4d: {  	_ =	shalt  }
0x4e: {  	_ =	shalt  }
0x4f: {  	_ =	shalt  }
0x50: {  	_ =	shalt  }
0x51: {  	_ =	shalt  }
0x52: {  	_ =	shalt  }
0x53: {  	_ =	shalt  }
0x54: {  	_ =	shalt  }
0x55: {  	_ =	shalt  }
0x56: {  	_ =	shalt  }
0x57: {  	_ =	shalt  }
0x58: {  	_ =	shalt  }
0x59: {  	_ =	shalt  }
0x5a: {  	_ =	shalt  }
0x5b: {  	_ =	shalt  }
0x5c: {  	_ =	shalt  }
0x5d: {  	_ =	shalt  }
0x5e: {  	_ =	shalt  }
0x5f: {  	_ =	shalt  }
0x60: {  	_ =	shalt  }
0x61: {  	_ =	shalt  }
0x62: {  	_ =	shalt  }
0x63: {  	_ =	shalt  }
0x64: {  	_ =	shalt  }
0x65: {  	_ =	shalt  }
0x66: {  	_ =	shalt  }
0x67: {  	_ =	shalt  }
0x68: {  	_ =	shalt  }
0x69: {  	_ =	shalt  }
0x6a: {  	_ =	shalt  }
0x6b: {  	_ =	shalt  }
0x6c: {  	_ =	shalt  }
0x6d: {  	_ =	shalt  }
0x6e: {  	_ =	shalt  }
0x6f: {  	_ =	shalt  }
0x70: {  	_ =	shalt  }
0x71: {  	_ =	shalt  }
0x72: {  	_ =	shalt  }
0x73: {  	_ =	shalt  }
0x74: {  	_ =	shalt  }
0x75: {  	_ =	shalt  }
0x76: {  	_ =	shalt  }
0x77: {  	_ =	shalt  }
0x78: {  	_ =	shalt  }
0x79: {  	_ =	shalt  }
0x7a: {  	_ =	shalt  }
0x7b: {  	_ =	shalt  }
0x7c: {  	_ =	shalt  }
0x7d: {  	_ =	shalt  }
0x7e: {  	_ =	shalt  }
0x7f: {  	_ =	shalt  }
0x80: {  	_ =	shalt  }
0x81: {  	_ =	shalt  }
0x82: {  	_ =	shalt  }
0x83: {  	_ =	shalt  }
0x84: {  	_ =	shalt  }
0x85: {  	_ =	shalt  }
0x86: {  	_ =	shalt  }
0x87: {  	_ =	shalt  }
.Lfunc_end0:
.L_simem_size_0:
called_computation_lowered:
.L_overlay_start_0:
0x88: {  	s2 =	sld [smem:$0x3FD9]  }
0x89: {  	s3 =	sld [smem:$0x3FFE];
	_ =	sdelay $0x1  }
0x8a: {  	s1 =	srdreg.scid  }
0x8b: {  	s0 =	sand.u32 $0x1, s1  }
0x8c: {  	s17 =	sshll.u32 s0, $0xA;
	s2 =	sadd.s32 s3, s2  }
0x8d: {  	s2 =	sadd.s32 s2, s17  }
0x8e: {  	[smem:$0x3FC2] =	sst s2  }
0x8f: {  	_ = 	snop  }
0x90: {  	s2 =	sld [smem:$0x3FC8]  }
0x91: {  	s18 =	sld [smem:$0x3FD0];
	(tm) =	ssettm $0x1  }
0x92: {  	s4 =	sld [smem:$0x3FFB];
	_ =	sdelay $0x3  }
0x93: {  	_ =	strace s4  }
0x94: {  	s4 =	sld [smem:$0x3FFC];
	_ =	sdelay $0x3  }
0x95: {  	_ =	strace s4  }
0x96: {  	s4 =	sld [smem:$0x3FFD];
	_ =	sdelay $0x3  }
0x97: {  	_ =	strace s4  }
0x98: {  	_ =	strace $0x8FFFFFFF  }
0x99: {  	s19 =	sld [smem:$0x3FDB];
	_ =	sdelay $0x1  }
0x9a: {  	s5 =	simm.s32 $_scs_section_size  }
0x9b: {  	s6 =	simm.s32 $_size__tile_overlayer_lowered;
	s7 =	simm.s32 $_tile_overlayer_lowered  }
0x9c: {  	s22 =	simm.s32 $0x1BFF;
	s21 =	sshll.u32 s7, $0x1;
	s4 =	sadd.s32 s5, s19  }
0x9d: {  	s8 =	simm.s32 $0x0;
	s20 =	sshll.u32 s6, $0x1;
	s6 =	sadd.s32 s21, s4  }
0x9e: {  	[timem:s8], [sflag:s22] =	dma.local [hbm:s6], s20  }
0x9f: {  	_ =	swait.ge [sflag:s22], s20  }
0xa0: {  	s5 =	ssub.s32 $0x0, s20;
	[sflag:s22] =	ssyncset.done $0x0  }
0xa1: {  	[sflag:s22] =	ssyncadd.s32 s5;
	_ =	sdelay $0x1  }
0xa2: {  	s23 =	simm.s32 $0x1B8B  }
0xa3: {  	_ =	swait.ge [sflag:s23], $0x1  }
0xa4: {  	[sflag:s23] =	ssyncset.done $0x0  }
0xa5: {  	s25 =	simm.s32 $0x1B8E;
	s24 =	sld [smem:$0x3FFE];
	[sflag:s23] =	ssyncadd.s32 $0xFFFFFFFF  }
0xa6: {  	s26 =	simm.s32 $execute0_lowered;
	[smem:$0x3FD2] =	sst s25  }
0xa7: {  	s6 =	sshll.u32 s26, $0x1;
	_ =	strace $0x80000046;
	[dreg:$0x1] =	wrdreg $0xFFFFFFFF  }
0xa8: {  	s28 =	simm.s32 $_size_execute0_lowered;
	s4 =	sadd.s32 s4, s6;
	[dreg:$0x0] =	wrdreg $0x0  }
0xa9: {  	s6 =	sshll.u32 s28, $0x1;
	[dreg:$0x2] =	wrdreg s4  }
0xaa: {  	[dreg:$0x3] =	wrdreg s6  }
0xab: {  	[dreg:$0x4] =	wrdreg $0xC0  }
0xac: {  	_ =	task [dreg:s8], $0x5FFFF  }
0xad: {  	[dreg:$0x1] =	wrdreg $0xFFFFFFFF  }
0xae: {  	[dreg:$0x0] =	wrdreg $0x60  }
0xaf: {  	[dreg:$0x2] =	wrdreg s18  }
0xb0: {  	[dreg:$0x3] =	wrdreg s2  }
0xb1: {  	[dreg:$0x4] =	wrdreg s24  }
0xb2: {  	[dreg:$0x5] =	wrdreg $0x9  }
0xb3: {  	_ =	task.clear_ibuf [dreg:s8], $0x6FFFF;
	_ =	strace $0x90000046  }
0xb4: {  	s29 =	simm.s32 $0x9;
	_ =	strace $0x80000048  }
0xb5: {  	_ =	swait.ge [sflag:s29], $0x1  }
0xb6: {  	[sflag:s29] =	ssyncadd.s32 $0xFFFFFFFF  }
0xb7: {  	_ =	strace $0x90000048  }
0xb8: {  	_ =	sfence  }
0xb9: {  	s30 =	sld [smem:$0x0];
	_ =	sdelay $0x2  }
0xba: {  	s31 =	sshll.u32 s1, $0xD;
	s1 =	sshrl.u32 s1, $0x2  }
0xbb: {  	s3 =	sand.u32 $0x4000, s31;
	s1 =	sadd.s32 s1, s30  }
0xbc: {  	s0 =	sor.u32 s3, s0;
	s1 =	sshll.u32 s1, $0x11  }
0xbd: {  	s0 =	sor.u32 s1, s0  }
0xbe: {  	s0 =	sadd.s32 $0x8F2B, s0  }
0xbf: {  	[sflag:s0] =	ssyncadd.remote.s32 $0x1  }
0xc0: {  	_ =	sfence.sel $0xFFFF  }
0xc1: {  	[dreg:$0x0] =	wrdreg $0xFFFFFFFF;
	(pc) =	sbr.abs _section_cstart, $3  }
0xc2: {  	[dreg:$0x1] =	wrdreg $0xFFFFFFFF  }
0xc3: {  	_ =	task.clear_ibuf [dreg:s8], $0x2FFFF;
	_ =	strace $0x9FFFFFFF  }
0xc4: {  	(tm) =	ssettm $0x7FFFFFFF  }
0xc5: {  	_ =	shalt  }
tec
execute0_lowered:
.L_overlay_start_1:
0x0: {  	(tag) =	ssettag $0x1  }
0x1: {  	s0 =	rddreg [dreg:$0x0]  }
0x2: {  	s2 =	rddreg [dreg:$0x1];
	s3 =	stileid.u32  }
0x3: {  	s4 =	rddreg [dreg:$0x2];
	s5 =	sshll.u32 s3, $0x1;
	s3 =	simm.s32 $0x0  }
0x4: {  	s18 =	simm.s32 $0x8A00;
	[smem:$0x7FF] =	sst s3  }
0x5: {  	s19 =	simm.s32 $0x9200;
	_ =	strace $0x80000047;
	[dreg:$0x9] =	wrdreg s18  }
0x6: {  	s20 =	simm.s32 $0x9A00;
	[dreg:$0xa] =	wrdreg s19  }
0x7: {  	s21 =	simm.s32 $0xA200;
	[dreg:$0xb] =	wrdreg s20  }
0x8: {  	s22 =	simm.s32 $0xAA00;
	[dreg:$0xc] =	wrdreg s21  }
0x9: {  	s1 =	srdreg.scid;
	s23 =	simm.s32 $0xB200;
	[dreg:$0xd] =	wrdreg s22  }
0xa: {  	s24 =	simm.s32 $0xBA00;
	s26 =	simm.s32 $0xC200;
	[dreg:$0xe] =	wrdreg s23  }
0xb: {  	s7 =	simm.s32 $0xDA00;
	s8 =	simm.s32 $0xE200;
	[dreg:$0xf] =	wrdreg s24  }
0xc: {  	s9 =	simm.s32 $0xEA00;
	s10 =	simm.s32 $0xF200;
	[dreg:$0x10] =	wrdreg s26  }
0xd: {  	s11 =	simm.s32 $0xFA00;
	s12 =	simm.s32 $0x10A00;
	[dreg:$0x13] =	wrdreg s7  }
0xe: {  	s13 =	simm.s32 $0x11200;
	s30 =	simm.s32 $0x4;
	[dreg:$0x14] =	wrdreg s8  }
0xf: {  	s31 =	simm.s32 $0x3;
	s28 =	simm.s32 $0x7A00;
	[dreg:$0x15] =	wrdreg s9  }
0x10: {  	s29 =	simm.s32 $0x10200;
	s1 =	sand.u32 $0x1, s1;
	[dreg:$0x16] =	wrdreg s10  }
0x11: {  	s5 =	sor.u32 s1, s5;
	s1 =	ssub.s32 $0x2, s1;
	[dreg:$0x17] =	wrdreg s11  }
0x12: {  	s6 =	sshll.u32 s5, $0xE;
	s5 =	sshll.u32 s5, $0x6;
	[dreg:$0x18] =	wrdreg s12  }
0x13: {  	s25 =	sshrl.u32 s1, $0x1;
	[dreg:$0x19] =	wrdreg s13;
	s18 =	simm.s32 $0x13A00  }
0x14: {  	s9 =	simm.s32 $0x200;
	s19 =	simm.s32 $0x14200;
	[dreg:$0x1e] =	wrdreg s18  }
0x15: {  	s20 =	simm.s32 $0x14A00;
	s21 =	simm.s32 $0x15200;
	[dreg:$0x1f] =	wrdreg s19  }
0x16: {  	s22 =	simm.s32 $0x15A00;
	s23 =	simm.s32 $0x16200;
	[smem:$0x7F7] =	sst s20  }
0x17: {  	s24 =	simm.s32 $0x16A00;
	s26 =	simm.s32 $0x17A00;
	[smem:$0x7F8] =	sst s21  }
0x18: {  	s12 =	simm.s32 $0xA00;
	s13 =	simm.s32 $0x1200;
	[smem:$0x7F9] =	sst s22  }
0x19: {  	s4 =	sadd.s32 s6, s4;
	s0 =	sadd.s32 s0, s5;
	[smem:$0x7FA] =	sst s23  }
0x1a: {  	s1 =	ssub.s32 s1, s25;
	s5 =	simm.s32 $0xCA00;
	[smem:$0x7FB] =	sst s24  }
0x1b: {  	s6 =	simm.s32 $0xD200;
	s25 =	simm.s32 $0x17200;
	[smem:$0x7FD] =	sst s26  }
0x1c: {  	s26 =	simm.s32 $0x1;
	s18 =	simm.s32 $0x3A00;
	[dreg:$0x4] =	wrdreg s0  }
0x1d: {  	s19 =	simm.s32 $0x4200;
	s20 =	simm.s32 $0x4A00;
	[dreg:$0x11] =	wrdreg s5  }
0x1e: {  	s21 =	simm.s32 $0x5200;
	s22 =	simm.s32 $0x5A00;
	[dreg:$0x12] =	wrdreg s6  }
0x1f: {  	s23 =	simm.s32 $0x6200;
	s14 =	sadd.s32 $0xC00, s4;
	[smem:$0x7FC] =	sst s25  }
0x20: {  	s24 =	simm.s32 $0x6A00;
	s15 =	sadd.s32 $0x1C00, s4;
	[dreg:$0x5] =	wrdreg s14  }
0x21: {  	s16 =	sadd.s32 $0x2C00, s4;
	s17 =	sadd.s32 $0x3C00, s4;
	[dreg:$0x6] =	wrdreg s15  }
0x22: {  	s4 =	sadd.s32 $0x100, s2;
	s5 =	sadd.s32 $0x200, s2;
	[dreg:$0x7] =	wrdreg s16  }
0x23: {  	s6 =	sadd.s32 $0x300, s2;
	[dreg:$0x8] =	wrdreg s17;
	s14 =	simm.s32 $0x11A00  }
0x24: {  	s7 =	smax.u32 s1, $0x1;
	s15 =	simm.s32 $0x12200;
	[dreg:$0x1a] =	wrdreg s14  }
0x25: {  	s1 =	simm.s32 $0x5;
	s16 =	simm.s32 $0x12A00;
	[dreg:$0x1b] =	wrdreg s15  }
0x26: {  	v2 =	vlaneseq.u32;
	s0 =	simm.s32 $0x6;
	s17 =	simm.s32 $0x13200;
	[dreg:$0x1c] =	wrdreg s16  }
0x27: {  	vm0 =	vmmov $0xffff;
	v1 =	vshrl.u32 v2, $0x3;
	s25 =	simm.s32 $0x7200;
	[dreg:$0x1d] =	wrdreg s17;
	s14 =	simm.s32 $0x1A00  }
0x28: {  	v0 =	vand.u32 $0x7, v2;
	v2 =	vor.u32 $0x8, v2;
	v1 =	vmul.u32 $0x8, v1;
	s15 =	simm.s32 $0x2200;
	s16 =	simm.s32 $0x2A00;
	s17 =	simm.s32 $0x3200  }
.LBB2_1:
0x29: {  	s10 =	rddreg [dreg:$0x4];
	s8 =	simm.s32 $0x7  }
0x2a: {  	[tilespmem:s3], [sflag:$0x7] =	stream.linear.gather [hbm4b:s10+s3], $0x200, $0x38;
	[tilespmem:$0x18200] =	vst v63  }
0x2b: {  	_ =	swait.ge [sflag:s8], $0x200  }
0x2c: {  	[sflag:s8] =	ssyncset.done $0x0  }
0x2d: {  	[sflag:s8] =	ssyncadd.s32 $0xFFFFFE00  }
0x2e: {  	v3 =	vld [tilespmem:$0x0];
	_ =	sdelay $0x4  }
0x2f: {  	v4 =	vshll.u32 v3, $0x3  }
0x30: {  	v3 =	vand.u32 $0x7, v3;
	v4 =	vand.u32 $0xFFFFFFC0, v4  }
0x31: {  	v3 =	vor.u32 v3, v4  }
0x32: {  	v4 =	vperm.xlane v3, v0;
	_ =	sdelay $0x1  }
0x33: {  	v4 =	vadd.s32 v1, v4;
	_ =	sdelay $0x4  }
0x34: {  	[tilespmem:s9], [sflag:$0x1] =	stream.indirect_vreg.gather [hbm4b:s2+s3], $0x80, v4, vm0, $0xb8;
	[tilespmem:$0x18200] =	vst v63  }
0x35: {  	v3 =	vperm.xlane v3, v2  }
0x36: {  	[tilespmem:s12], [sflag:$0x1] =	stream.indirect_vreg.gather [hbm4b:s4+s3], $0x80, v4, vm0, $0xb8;
	[tilespmem:$0x18200] =	vst v63  }
0x37: {  	v3 =	vadd.s32 v1, v3  }
0x38: {  	[tilespmem:s13], [sflag:$0x1] =	stream.indirect_vreg.gather [hbm4b:s5+s3], $0x80, v4, vm0, $0xb8;
	[tilespmem:$0x18200] =	vst v63  }
0x39: {  	_ = 	snop  }
0x3a: {  	[tilespmem:s14], [sflag:$0x1] =	stream.indirect_vreg.gather [hbm4b:s6+s3], $0x80, v4, vm0, $0xb8;
	[tilespmem:$0x18200] =	vst v63  }
0x3b: {  	_ = 	snop  }
0x3c: {  	[tilespmem:s15], [sflag:$0x1] =	stream.indirect_vreg.gather [hbm4b:s2+s3], $0x80, v3, vm0, $0xb8;
	[tilespmem:$0x18200] =	vst v63  }
0x3d: {  	_ = 	snop  }
0x3e: {  	[tilespmem:s16], [sflag:$0x1] =	stream.indirect_vreg.gather [hbm4b:s4+s3], $0x80, v3, vm0, $0xb8;
	[tilespmem:$0x18200] =	vst v63  }
0x3f: {  	_ = 	snop  }
0x40: {  	[tilespmem:s17], [sflag:$0x1] =	stream.indirect_vreg.gather [hbm4b:s5+s3], $0x80, v3, vm0, $0xb8;
	[tilespmem:$0x18200] =	vst v63  }
0x41: {  	_ = 	snop  }
0x42: {  	[tilespmem:s18], [sflag:$0x1] =	stream.indirect_vreg.gather [hbm4b:s6+s3], $0x80, v3, vm0, $0xb8;
	[tilespmem:$0x18200] =	vst v63  }
0x43: {  	v3 =	vld [tilespmem:$0x10];
	_ =	sdelay $0x4  }
0x44: {  	v57 =	vshll.u32 v3, $0x3  }
0x45: {  	v3 =	vand.u32 $0x7, v3;
	v4 =	vand.u32 $0xFFFFFFC0, v57  }
0x46: {  	v3 =	vor.u32 v3, v4  }
0x47: {  	v4 =	vperm.xlane v3, v0;
	_ =	sdelay $0x1  }
0x48: {  	v4 =	vadd.s32 v1, v4;
	_ =	sdelay $0x4  }
0x49: {  	[tilespmem:s19], [sflag:$0x1] =	stream.indirect_vreg.gather [hbm4b:s2+s3], $0x80, v4, vm0, $0xb8;
	[tilespmem:$0x18200] =	vst v63  }
0x4a: {  	v3 =	vperm.xlane v3, v2  }
0x4b: {  	[tilespmem:s20], [sflag:$0x1] =	stream.indirect_vreg.gather [hbm4b:s4+s3], $0x80, v4, vm0, $0xb8;
	[tilespmem:$0x18200] =	vst v63  }
0x4c: {  	v3 =	vadd.s32 v1, v3  }
0x4d: {  	[tilespmem:s21], [sflag:$0x1] =	stream.indirect_vreg.gather [hbm4b:s5+s3], $0x80, v4, vm0, $0xb8;
	[tilespmem:$0x18200] =	vst v63  }
0x4e: {  	_ = 	snop  }
0x4f: {  	[tilespmem:s22], [sflag:$0x1] =	stream.indirect_vreg.gather [hbm4b:s6+s3], $0x80, v4, vm0, $0xb8;
	[tilespmem:$0x18200] =	vst v63  }
0x50: {  	_ = 	snop  }
0x51: {  	[tilespmem:s23], [sflag:$0x1] =	stream.indirect_vreg.gather [hbm4b:s2+s3], $0x80, v3, vm0, $0xb8;
	[tilespmem:$0x18200] =	vst v63  }
0x52: {  	_ = 	snop  }
0x53: {  	[tilespmem:s24], [sflag:$0x1] =	stream.indirect_vreg.gather [hbm4b:s4+s3], $0x80, v3, vm0, $0xb8;
	[tilespmem:$0x18200] =	vst v63  }
0x54: {  	_ = 	snop  }
0x55: {  	[tilespmem:s25], [sflag:$0x1] =	stream.indirect_vreg.gather [hbm4b:s5+s3], $0x80, v3, vm0, $0xb8;
	[tilespmem:$0x18200] =	vst v63  }
0x56: {  	_ = 	snop  }
0x57: {  	[tilespmem:s28], [sflag:$0x1] =	stream.indirect_vreg.gather [hbm4b:s6+s3], $0x80, v3, vm0, $0xb8;
	[tilespmem:$0x18200] =	vst v63  }
0x58: {  	v3 =	vld [tilespmem:$0x80];
	_ =	sdelay $0x4  }
0x59: {  	v58 =	vshll.u32 v3, $0x3  }
0x5a: {  	v3 =	vand.u32 $0x7, v3;
	v4 =	vand.u32 $0xFFFFFFC0, v58  }
0x5b: {  	v3 =	vor.u32 v3, v4  }
0x5c: {  	v4 =	vperm.xlane v3, v0;
	_ =	sdelay $0x1  }
0x5d: {  	v4 =	vadd.s32 v1, v4;
	_ =	sdelay $0x3  }
0x5e: {  	s8 =	simm.s32 $0x8200  }
0x5f: {  	[tilespmem:s8], [sflag:$0x2] =	stream.indirect_vreg.gather [hbm4b:s2+s3], $0x80, v4, vm0, $0xb8;
	[tilespmem:$0x18200] =	vst v63  }
0x60: {  	s10 =	rddreg [dreg:$0x9];
	v3 =	vperm.xlane v3, v2  }
0x61: {  	[tilespmem:s10], [sflag:$0x2] =	stream.indirect_vreg.gather [hbm4b:s4+s3], $0x80, v4, vm0, $0xb8;
	[tilespmem:$0x18200] =	vst v63  }
0x62: {  	s11 =	rddreg [dreg:$0xa];
	v3 =	vadd.s32 v1, v3  }
0x63: {  	[tilespmem:s11], [sflag:$0x2] =	stream.indirect_vreg.gather [hbm4b:s5+s3], $0x80, v4, vm0, $0xb8;
	[tilespmem:$0x18200] =	vst v63  }
0x64: {  	s10 =	rddreg [dreg:$0xb]  }
0x65: {  	[tilespmem:s10], [sflag:$0x2] =	stream.indirect_vreg.gather [hbm4b:s6+s3], $0x80, v4, vm0, $0xb8;
	[tilespmem:$0x18200] =	vst v63  }
0x66: {  	s11 =	rddreg [dreg:$0xc]  }
0x67: {  	[tilespmem:s11], [sflag:$0x2] =	stream.indirect_vreg.gather [hbm4b:s2+s3], $0x80, v3, vm0, $0xb8;
	[tilespmem:$0x18200] =	vst v63  }
0x68: {  	s10 =	rddreg [dreg:$0xd]  }
0x69: {  	[tilespmem:s10], [sflag:$0x2] =	stream.indirect_vreg.gather [hbm4b:s4+s3], $0x80, v3, vm0, $0xb8;
	[tilespmem:$0x18200] =	vst v63  }
0x6a: {  	s11 =	rddreg [dreg:$0xe]  }
0x6b: {  	[tilespmem:s11], [sflag:$0x2] =	stream.indirect_vreg.gather [hbm4b:s5+s3], $0x80, v3, vm0, $0xb8;
	[tilespmem:$0x18200] =	vst v63  }
0x6c: {  	s10 =	rddreg [dreg:$0xf]  }
0x6d: {  	[tilespmem:s10], [sflag:$0x2] =	stream.indirect_vreg.gather [hbm4b:s6+s3], $0x80, v3, vm0, $0xb8;
	[tilespmem:$0x18200] =	vst v63  }
0x6e: {  	v3 =	vld [tilespmem:$0x90];
	_ =	sdelay $0x4  }
0x6f: {  	v59 =	vshll.u32 v3, $0x3  }
0x70: {  	v3 =	vand.u32 $0x7, v3;
	v4 =	vand.u32 $0xFFFFFFC0, v59  }
0x71: {  	v3 =	vor.u32 v3, v4  }
0x72: {  	v4 =	vperm.xlane v3, v0;
	_ =	sdelay $0x1  }
0x73: {  	v4 =	vadd.s32 v1, v4;
	_ =	sdelay $0x3  }
0x74: {  	s10 =	rddreg [dreg:$0x10]  }
0x75: {  	[tilespmem:s10], [sflag:$0x2] =	stream.indirect_vreg.gather [hbm4b:s2+s3], $0x80, v4, vm0, $0xb8;
	[tilespmem:$0x18200] =	vst v63  }
0x76: {  	s11 =	rddreg [dreg:$0x11];
	v3 =	vperm.xlane v3, v2  }
0x77: {  	[tilespmem:s11], [sflag:$0x2] =	stream.indirect_vreg.gather [hbm4b:s4+s3], $0x80, v4, vm0, $0xb8;
	[tilespmem:$0x18200] =	vst v63  }
0x78: {  	v3 =	vadd.s32 v1, v3;
	s10 =	rddreg [dreg:$0x12]  }
0x79: {  	[tilespmem:s10], [sflag:$0x2] =	stream.indirect_vreg.gather [hbm4b:s5+s3], $0x80, v4, vm0, $0xb8;
	[tilespmem:$0x18200] =	vst v63  }
0x7a: {  	s11 =	rddreg [dreg:$0x13]  }
0x7b: {  	[tilespmem:s11], [sflag:$0x2] =	stream.indirect_vreg.gather [hbm4b:s6+s3], $0x80, v4, vm0, $0xb8;
	[tilespmem:$0x18200] =	vst v63  }
0x7c: {  	s10 =	rddreg [dreg:$0x14]  }
0x7d: {  	[tilespmem:s10], [sflag:$0x2] =	stream.indirect_vreg.gather [hbm4b:s2+s3], $0x80, v3, vm0, $0xb8;
	[tilespmem:$0x18200] =	vst v63  }
0x7e: {  	s11 =	rddreg [dreg:$0x15]  }
0x7f: {  	[tilespmem:s11], [sflag:$0x2] =	stream.indirect_vreg.gather [hbm4b:s4+s3], $0x80, v3, vm0, $0xb8;
	[tilespmem:$0x18200] =	vst v63  }
0x80: {  	s10 =	rddreg [dreg:$0x16]  }
0x81: {  	[tilespmem:s10], [sflag:$0x2] =	stream.indirect_vreg.gather [hbm4b:s5+s3], $0x80, v3, vm0, $0xb8;
	[tilespmem:$0x18200] =	vst v63  }
0x82: {  	s11 =	rddreg [dreg:$0x17]  }
0x83: {  	[tilespmem:s11], [sflag:$0x2] =	stream.indirect_vreg.gather [hbm4b:s6+s3], $0x80, v3, vm0, $0xb8;
	[tilespmem:$0x18200] =	vst v63  }
0x84: {  	_ =	swait.ge [sflag:s26], $0x8000  }
0x85: {  	[sflag:s26] =	ssyncset.done $0x0  }
0x86: {  	s11 =	rddreg [dreg:$0x5];
	[sflag:s26] =	ssyncadd.s32 $0xFFFF8000  }
0x87: {  	[hbm4b:s11+s3] =	stream.linear.scatter [tilespmem:s9], [sflag:$0x4], $0x8000, $0x38;
	[tilespmem:$0x18200] =	vst v63  }
0x88: {  	v3 =	vld [tilespmem:$0x100];
	_ =	sdelay $0x4  }
0x89: {  	v60 =	vshll.u32 v3, $0x3  }
0x8a: {  	v3 =	vand.u32 $0x7, v3;
	v4 =	vand.u32 $0xFFFFFFC0, v60  }
0x8b: {  	v3 =	vor.u32 v3, v4  }
0x8c: {  	v4 =	vperm.xlane v3, v0;
	_ =	sdelay $0x1  }
0x8d: {  	v4 =	vadd.s32 v1, v4;
	_ =	sdelay $0x4  }
0x8e: {  	[tilespmem:s29], [sflag:$0x3] =	stream.indirect_vreg.gather [hbm4b:s2+s3], $0x80, v4, vm0, $0xb8;
	[tilespmem:$0x18200] =	vst v63  }
0x8f: {  	s10 =	rddreg [dreg:$0x18];
	v3 =	vperm.xlane v3, v2  }
0x90: {  	[tilespmem:s10], [sflag:$0x3] =	stream.indirect_vreg.gather [hbm4b:s4+s3], $0x80, v4, vm0, $0xb8;
	[tilespmem:$0x18200] =	vst v63  }
0x91: {  	s11 =	rddreg [dreg:$0x19];
	v3 =	vadd.s32 v1, v3  }
0x92: {  	[tilespmem:s11], [sflag:$0x3] =	stream.indirect_vreg.gather [hbm4b:s5+s3], $0x80, v4, vm0, $0xb8;
	[tilespmem:$0x18200] =	vst v63  }
0x93: {  	s10 =	rddreg [dreg:$0x1a]  }
0x94: {  	[tilespmem:s10], [sflag:$0x3] =	stream.indirect_vreg.gather [hbm4b:s6+s3], $0x80, v4, vm0, $0xb8;
	[tilespmem:$0x18200] =	vst v63  }
0x95: {  	s11 =	rddreg [dreg:$0x1b]  }
0x96: {  	[tilespmem:s11], [sflag:$0x3] =	stream.indirect_vreg.gather [hbm4b:s2+s3], $0x80, v3, vm0, $0xb8;
	[tilespmem:$0x18200] =	vst v63  }
0x97: {  	s10 =	rddreg [dreg:$0x1c]  }
0x98: {  	[tilespmem:s10], [sflag:$0x3] =	stream.indirect_vreg.gather [hbm4b:s4+s3], $0x80, v3, vm0, $0xb8;
	[tilespmem:$0x18200] =	vst v63  }
0x99: {  	s11 =	rddreg [dreg:$0x1d]  }
0x9a: {  	[tilespmem:s11], [sflag:$0x3] =	stream.indirect_vreg.gather [hbm4b:s5+s3], $0x80, v3, vm0, $0xb8;
	[tilespmem:$0x18200] =	vst v63  }
0x9b: {  	s10 =	rddreg [dreg:$0x1e]  }
0x9c: {  	[tilespmem:s10], [sflag:$0x3] =	stream.indirect_vreg.gather [hbm4b:s6+s3], $0x80, v3, vm0, $0xb8;
	[tilespmem:$0x18200] =	vst v63  }
0x9d: {  	v3 =	vld [tilespmem:$0x110];
	_ =	sdelay $0x4  }
0x9e: {  	v61 =	vshll.u32 v3, $0x3  }
0x9f: {  	v3 =	vand.u32 $0x7, v3;
	v4 =	vand.u32 $0xFFFFFFC0, v61  }
0xa0: {  	v3 =	vor.u32 v3, v4  }
0xa1: {  	v4 =	vperm.xlane v3, v0;
	_ =	sdelay $0x1  }
0xa2: {  	v4 =	vadd.s32 v1, v4;
	_ =	sdelay $0x2  }
0xa3: {  	s11 =	sld [smem:$0x7F7]  }
0xa4: {  	s10 =	rddreg [dreg:$0x1f]  }
0xa5: {  	[tilespmem:s10], [sflag:$0x3] =	stream.indirect_vreg.gather [hbm4b:s2+s3], $0x80, v4, vm0, $0xb8;
	[tilespmem:$0x18200] =	vst v63  }
0xa6: {  	v3 =	vperm.xlane v3, v2;
	s10 =	sld [smem:$0x7F8]  }
0xa7: {  	[tilespmem:s11], [sflag:$0x3] =	stream.indirect_vreg.gather [hbm4b:s4+s3], $0x80, v4, vm0, $0xb8;
	[tilespmem:$0x18200] =	vst v63  }
0xa8: {  	v3 =	vadd.s32 v1, v3;
	s11 =	sld [smem:$0x7F9]  }
0xa9: {  	[tilespmem:s10], [sflag:$0x3] =	stream.indirect_vreg.gather [hbm4b:s5+s3], $0x80, v4, vm0, $0xb8;
	[tilespmem:$0x18200] =	vst v63  }
0xaa: {  	s10 =	sld [smem:$0x7FA]  }
0xab: {  	[tilespmem:s11], [sflag:$0x3] =	stream.indirect_vreg.gather [hbm4b:s6+s3], $0x80, v4, vm0, $0xb8;
	[tilespmem:$0x18200] =	vst v63  }
0xac: {  	s11 =	sld [smem:$0x7FB]  }
0xad: {  	[tilespmem:s10], [sflag:$0x3] =	stream.indirect_vreg.gather [hbm4b:s2+s3], $0x80, v3, vm0, $0xb8;
	[tilespmem:$0x18200] =	vst v63  }
0xae: {  	s10 =	sld [smem:$0x7FC]  }
0xaf: {  	[tilespmem:s11], [sflag:$0x3] =	stream.indirect_vreg.gather [hbm4b:s4+s3], $0x80, v3, vm0, $0xb8;
	[tilespmem:$0x18200] =	vst v63  }
0xb0: {  	s11 =	sld [smem:$0x7FD]  }
0xb1: {  	[tilespmem:s10], [sflag:$0x3] =	stream.indirect_vreg.gather [hbm4b:s5+s3], $0x80, v3, vm0, $0xb8;
	[tilespmem:$0x18200] =	vst v63  }
0xb2: {  	_ = 	snop  }
0xb3: {  	[tilespmem:s11], [sflag:$0x3] =	stream.indirect_vreg.gather [hbm4b:s6+s3], $0x80, v3, vm0, $0xb8;
	[tilespmem:$0x18200] =	vst v63  }
0xb4: {  	s11 =	simm.s32 $0x2  }
0xb5: {  	_ =	swait.ge [sflag:s11], $0x8000  }
0xb6: {  	[sflag:s11] =	ssyncset.done $0x0  }
0xb7: {  	s10 =	rddreg [dreg:$0x6];
	[sflag:s11] =	ssyncadd.s32 $0xFFFF8000  }
0xb8: {  	[hbm4b:s10+s3] =	stream.linear.scatter [tilespmem:s8], [sflag:$0x5], $0x8000, $0x38;
	[tilespmem:$0x18200] =	vst v63  }
0xb9: {  	_ =	swait.ge [sflag:s30], $0x8000  }
0xba: {  	[sflag:s30] =	ssyncset.done $0x0  }
0xbb: {  	[sflag:s30] =	ssyncadd.s32 $0xFFFF8000  }
0xbc: {  	v3 =	vld [tilespmem:$0x180];
	_ =	sdelay $0x4  }
0xbd: {  	v62 =	vshll.u32 v3, $0x3  }
0xbe: {  	v3 =	vand.u32 $0x7, v3;
	v4 =	vand.u32 $0xFFFFFFC0, v62  }
0xbf: {  	v3 =	vor.u32 v3, v4  }
0xc0: {  	v4 =	vperm.xlane v3, v0;
	_ =	sdelay $0x1  }
0xc1: {  	v4 =	vadd.s32 v1, v4;
	_ =	sdelay $0x4  }
0xc2: {  	[tilespmem:s9], [sflag:$0x1] =	stream.indirect_vreg.gather [hbm4b:s2+s3], $0x80, v4, vm0, $0xb8;
	[tilespmem:$0x18200] =	vst v63  }
0xc3: {  	v3 =	vperm.xlane v3, v2  }
0xc4: {  	[tilespmem:s12], [sflag:$0x1] =	stream.indirect_vreg.gather [hbm4b:s4+s3], $0x80, v4, vm0, $0xb8;
	[tilespmem:$0x18200] =	vst v63  }
0xc5: {  	v3 =	vadd.s32 v1, v3  }
0xc6: {  	[tilespmem:s13], [sflag:$0x1] =	stream.indirect_vreg.gather [hbm4b:s5+s3], $0x80, v4, vm0, $0xb8;
	[tilespmem:$0x18200] =	vst v63  }
0xc7: {  	_ = 	snop  }
0xc8: {  	[tilespmem:s14], [sflag:$0x1] =	stream.indirect_vreg.gather [hbm4b:s6+s3], $0x80, v4, vm0, $0xb8;
	[tilespmem:$0x18200] =	vst v63  }
0xc9: {  	_ = 	snop  }
0xca: {  	[tilespmem:s15], [sflag:$0x1] =	stream.indirect_vreg.gather [hbm4b:s2+s3], $0x80, v3, vm0, $0xb8;
	[tilespmem:$0x18200] =	vst v63  }
0xcb: {  	_ = 	snop  }
0xcc: {  	[tilespmem:s16], [sflag:$0x1] =	stream.indirect_vreg.gather [hbm4b:s4+s3], $0x80, v3, vm0, $0xb8;
	[tilespmem:$0x18200] =	vst v63  }
0xcd: {  	_ = 	snop  }
0xce: {  	[tilespmem:s17], [sflag:$0x1] =	stream.indirect_vreg.gather [hbm4b:s5+s3], $0x80, v3, vm0, $0xb8;
	[tilespmem:$0x18200] =	vst v63  }
0xcf: {  	_ = 	snop  }
0xd0: {  	[tilespmem:s18], [sflag:$0x1] =	stream.indirect_vreg.gather [hbm4b:s6+s3], $0x80, v3, vm0, $0xb8;
	[tilespmem:$0x18200] =	vst v63  }
0xd1: {  	v3 =	vld [tilespmem:$0x190];
	_ =	sdelay $0x4  }
0xd2: {  	v63 =	vshll.u32 v3, $0x3  }
0xd3: {  	v3 =	vand.u32 $0x7, v3;
	v4 =	vand.u32 $0xFFFFFFC0, v63  }
0xd4: {  	v3 =	vor.u32 v3, v4  }
0xd5: {  	v4 =	vperm.xlane v3, v0;
	_ =	sdelay $0x1  }
0xd6: {  	v4 =	vadd.s32 v1, v4;
	_ =	sdelay $0x4  }
0xd7: {  	[tilespmem:s19], [sflag:$0x1] =	stream.indirect_vreg.gather [hbm4b:s2+s3], $0x80, v4, vm0, $0xb8;
	[tilespmem:$0x18200] =	vst v63  }
0xd8: {  	v3 =	vperm.xlane v3, v2  }
0xd9: {  	[tilespmem:s20], [sflag:$0x1] =	stream.indirect_vreg.gather [hbm4b:s4+s3], $0x80, v4, vm0, $0xb8;
	[tilespmem:$0x18200] =	vst v63  }
0xda: {  	v3 =	vadd.s32 v1, v3  }
0xdb: {  	[tilespmem:s21], [sflag:$0x1] =	stream.indirect_vreg.gather [hbm4b:s5+s3], $0x80, v4, vm0, $0xb8;
	[tilespmem:$0x18200] =	vst v63  }
0xdc: {  	_ = 	snop  }
0xdd: {  	[tilespmem:s22], [sflag:$0x1] =	stream.indirect_vreg.gather [hbm4b:s6+s3], $0x80, v4, vm0, $0xb8;
	[tilespmem:$0x18200] =	vst v63  }
0xde: {  	_ = 	snop  }
0xdf: {  	[tilespmem:s23], [sflag:$0x1] =	stream.indirect_vreg.gather [hbm4b:s2+s3], $0x80, v3, vm0, $0xb8;
	[tilespmem:$0x18200] =	vst v63  }
0xe0: {  	_ = 	snop  }
0xe1: {  	[tilespmem:s24], [sflag:$0x1] =	stream.indirect_vreg.gather [hbm4b:s4+s3], $0x80, v3, vm0, $0xb8;
	[tilespmem:$0x18200] =	vst v63  }
0xe2: {  	_ = 	snop  }
0xe3: {  	[tilespmem:s25], [sflag:$0x1] =	stream.indirect_vreg.gather [hbm4b:s5+s3], $0x80, v3, vm0, $0xb8;
	[tilespmem:$0x18200] =	vst v63  }
0xe4: {  	_ = 	snop  }
0xe5: {  	[tilespmem:s28], [sflag:$0x1] =	stream.indirect_vreg.gather [hbm4b:s6+s3], $0x80, v3, vm0, $0xb8;
	[tilespmem:$0x18200] =	vst v63  }
0xe6: {  	_ =	swait.ge [sflag:s31], $0x8000  }
0xe7: {  	[sflag:s31] =	ssyncset.done $0x0  }
0xe8: {  	s8 =	rddreg [dreg:$0x7];
	[sflag:s31] =	ssyncadd.s32 $0xFFFF8000  }
0xe9: {  	[hbm4b:s8+s3] =	stream.linear.scatter [tilespmem:s29], [sflag:$0x6], $0x8000, $0x38;
	[tilespmem:$0x18200] =	vst v63  }
0xea: {  	_ =	swait.ge [sflag:s26], $0x8000  }
0xeb: {  	[sflag:s26] =	ssyncset.done $0x0  }
0xec: {  	s11 =	rddreg [dreg:$0x8];
	[sflag:s26] =	ssyncadd.s32 $0xFFFF8000  }
0xed: {  	[hbm4b:s11+s3] =	stream.linear.scatter [tilespmem:s9], [sflag:$0x4], $0x8000, $0x38;
	[tilespmem:$0x18200] =	vst v63  }
0xee: {  	_ =	swait.ge [sflag:s1], $0x8000  }
0xef: {  	[sflag:s1] =	ssyncset.done $0x0  }
0xf0: {  	[sflag:s1] =	ssyncadd.s32 $0xFFFF8000  }
0xf1: {  	p0 =	sne.s32 s7, $0x1;
	_ =	swait.ge [sflag:s0], $0x8000  }
.Ltmp0:
0xf2: {  	[sflag:s0] =	ssyncset.done $0x0;
	(pc) =	sbr.rel @p0 .LBB2_1-.Ltmp0, $4  }
0xf3: {  	[sflag:s0] =	ssyncadd.s32 $0xFFFF8000  }
0xf4: {  	_ =	swait.ge [sflag:s30], $0x8000  }
0xf5: {  	[sflag:s30] =	ssyncset.done $0x0  }
0xf6: {  	s7 =	sadd.s32 $0xFFFFFFFF, s7;
	[sflag:s30] =	ssyncadd.s32 $0xFFFF8000  }
0xf7: {  	_ =	sfence.sel $0x180000  }
0xf8: {  	[bflag:$0x0] =	sbarrier.arrive $0xFFFF  }
0xf9: {  	_ =	strace $0x90000047  }
0xfa: {  	s0 =	stileid.u32;
	[bflag:$0x2] =	sbarrier.arrive $0xFFFF  }
0xfb: {  	p0 =	sne.s32 s0, $0x0;
	s0 =	rddreg [dreg:$0x3]  }
0xfc: {  	s0 =	sadd.s32 @!p0 $0x100000, s0  }
0xfd: {  	[sflag:s0] =	ssyncadd.tile.s32 @!p0 $0x1;
	_ =	shalt  }
.Lfunc_end2:
_tile_overlayer_lowered:
.L_overlay_start_2:
0xfe: {  	(tag) =	ssettag $0x2  }
0xff: {  	s0 =	rddreg [dreg:$0x0];
	s2 =	stileid.u32  }
0x100: {  	s1 =	rddreg [dreg:$0x1];
	p0 =	sne.s32 s2, $0x0  }
0x101: {  	s3 =	rddreg [dreg:$0x2];
	[bflag:$0x3] =	sbarrier.arrive $0xFFFF;
	s2 =	simm.s32 @!p0 $0x1C07  }
0x102: {  	[timem:s3], [sflag:s2] =	dma.local @!p0 [hbm:s0], s1  }
0x103: {  	s0 =	simm.s32 @!p0 $0x7  }
0x104: {  	_ =	swait.ge @!p0 [sflag:s0], s1  }
0x105: {  	s1 =	ssub.s32 @!p0 $0x0, s1;
	[sflag:s0] =	ssyncset.done @!p0 $0x0  }
0x106: {  	[sflag:s0] =	ssyncadd.s32 @!p0 s1  }
0x107: {  	[bflag:$0x3] =	sbarrier.arrive $0xFFFF  }
0x108: {  	_ =	shalt  }

</sc_bundles>
